<compile_context>
chip_gen: v7x
topology: tpu7x:2x2x1
jax: 0.10.2.dev20260603
libtpu: 0.0.44.dev20260713+nightly
codegen_flags: <defaults>
</compile_context>

<pallas_src>
import functools

import jax
import jax.numpy as jnp
from jax import lax
from jax.experimental import pallas as pl
from jax.experimental.pallas import tpu as pltpu
from jax.experimental.pallas import tpu_sc as plsc

B = 16384
D = 64
NC = 2
NS = 16
NW = NC * NS
BW = B // NW

_mesh = plsc.VectorSubcoreMesh(core_axis_name="c", subcore_axis_name="s")


@functools.partial(
    pl.kernel,
    out_type=(
        jax.ShapeDtypeStruct((B, D), jnp.float32),
        jax.ShapeDtypeStruct((B, D), jnp.float32),
        jax.ShapeDtypeStruct((B, D), jnp.float32),
    ),
    mesh=_mesh,
    compiler_params=pltpu.CompilerParams(use_tc_tiling_on_sc=False),
    scratch_types=[
        pltpu.VMEM((BW,), jnp.int32),
        pltpu.VMEM((BW,), jnp.int32),
        pltpu.VMEM((BW,), jnp.int32),
        pltpu.VMEM((BW, D), jnp.float32),
        pltpu.VMEM((BW, D), jnp.float32),
        pltpu.VMEM((BW, D), jnp.float32),
        pltpu.SemaphoreType.DMA,
        pltpu.SemaphoreType.DMA,
    ],
)
def _sc_gather(u_idx_hbm, p_idx_hbm, n_idx_hbm, user_hbm, item_hbm,
               u_out, p_out, n_out,
               iu_v, ip_v, in_v, ru_v, rp_v, rn_v, gsem, wsem):
    wid = lax.axis_index("s") * NC + lax.axis_index("c")
    base = wid * BW
    sl = pl.ds(base, BW)
    pltpu.sync_copy(u_idx_hbm.at[sl], iu_v)
    pltpu.sync_copy(p_idx_hbm.at[sl], ip_v)
    pltpu.sync_copy(n_idx_hbm.at[sl], in_v)
    g0 = pltpu.async_copy(user_hbm.at[iu_v], ru_v, gsem)
    g1 = pltpu.async_copy(item_hbm.at[ip_v], rp_v, gsem)
    g2 = pltpu.async_copy(item_hbm.at[in_v], rn_v, gsem)
    g0.wait()
    w0 = pltpu.async_copy(ru_v, u_out.at[sl], wsem)
    g1.wait()
    w1 = pltpu.async_copy(rp_v, p_out.at[sl], wsem)
    g2.wait()
    w2 = pltpu.async_copy(rn_v, n_out.at[sl], wsem)
    w0.wait()
    w1.wait()
    w2.wait()


_TC_BLK = 2048


def _tc_dist_body(u_ref, i_ref, j_ref, pos_ref, neg_ref):
    u = u_ref[...]
    i = i_ref[...]
    j = j_ref[...]
    ssq_u = jnp.sum(u * u, axis=1, keepdims=True)
    ssq_i = jnp.sum(i * i, axis=1, keepdims=True)
    ssq_j = jnp.sum(j * j, axis=1, keepdims=True)
    dot_i = jnp.sum(u * i, axis=1, keepdims=True)
    dot_j = jnp.sum(u * j, axis=1, keepdims=True)
    mu = jnp.maximum(ssq_u, 1.0)
    mi = jnp.maximum(ssq_i, 1.0)
    mj = jnp.maximum(ssq_j, 1.0)
    pos_ref[...] = ssq_u / mu + ssq_i / mi - 2.0 * dot_i * lax.rsqrt(mu * mi)
    neg_ref[...] = ssq_u / mu + ssq_j / mj - 2.0 * dot_j * lax.rsqrt(mu * mj)


def _tc_dist(u_rows, p_rows, n_rows):
    row_spec = pl.BlockSpec((_TC_BLK, D), lambda b: (b, 0))
    out_spec = pl.BlockSpec((_TC_BLK, 1), lambda b: (b, 0))
    return pl.pallas_call(
        _tc_dist_body,
        grid=(B // _TC_BLK,),
        in_specs=[row_spec, row_spec, row_spec],
        out_specs=[out_spec, out_spec],
        out_shape=[
            jax.ShapeDtypeStruct((B, 1), jnp.float32),
            jax.ShapeDtypeStruct((B, 1), jnp.float32),
        ],
    )(u_rows, p_rows, n_rows)


def kernel(batch_user, batch_pos_item, batch_neg_item, user_emb, item_emb):
    u_rows, p_rows, n_rows = _sc_gather(
        batch_user, batch_pos_item, batch_neg_item, user_emb, item_emb)
    pos, neg = _tc_dist(u_rows, p_rows, n_rows)
    return (pos, neg)

# --- scband reference (transcript-rebuilt; emitter-appended) ---
"""Pipeline reference for scband-cml-23510650979023 (READ-ONLY COPY).

The authoritative reference and input builder live on the scoring server;
editing this copy changes nothing except your own understanding.
"""

import jax, jax.numpy as jnp
import numpy as np

USER_COUNT = 100000
ITEM_COUNT = 1000000
DIM = 64
BATCH = 16384
MAX_NORM = 1.0


def _renorm(e, max_norm=MAX_NORM):
    # Emulates torch nn.Embedding(max_norm=1.0): looked-up rows with L2 norm
    # greater than max_norm are renormalized to max_norm.
    n = jnp.linalg.norm(e, axis=-1, keepdims=True)
    scale = jnp.minimum(1.0, max_norm / jnp.maximum(n, 1e-12))
    return e * scale


def setup_inputs(seed: int = 0) -> dict:
    key = jax.random.key(seed)
    k1, k2, k3, k4, k5 = jax.random.split(key, 5)
    batch_user = jax.random.randint(k1, (BATCH,), 0, USER_COUNT, dtype=jnp.int32)
    batch_pos_item = jax.random.randint(k2, (BATCH,), 0, ITEM_COUNT, dtype=jnp.int32)
    batch_neg_item = jax.random.randint(k3, (BATCH,), 0, ITEM_COUNT, dtype=jnp.int32)
    user_emb = jax.random.normal(k4, (USER_COUNT, DIM), dtype=jnp.float32) * (1.0 / DIM ** 0.5)
    item_emb = jax.random.normal(k5, (ITEM_COUNT, DIM), dtype=jnp.float32) * (1.0 / DIM ** 0.5)
    return {
        "batch_user": batch_user,
        "batch_pos_item": batch_pos_item,
        "batch_neg_item": batch_neg_item,
        "user_emb": user_emb,
        "item_emb": item_emb,
    }


def reference(batch_user, batch_pos_item, batch_neg_item, user_emb, item_emb):
    u = _renorm(jnp.take(user_emb, batch_user, axis=0))
    i = _renorm(jnp.take(item_emb, batch_pos_item, axis=0))
    j = _renorm(jnp.take(item_emb, batch_neg_item, axis=0))
    pos_dist = jnp.sum((u - i) ** 2, axis=1, keepdims=True)
    neg_dist = jnp.sum((u - j) ** 2, axis=1, keepdims=True)
    return (pos_dist, neg_dist)

if __name__ == "__main__":
    import jax
    _d = setup_inputs()
    print(jax.jit(kernel)(*tuple(_d.values())))

</pallas_src>

<mosaic_0001>
#map = affine_map<(d0, d1) -> (0)>
#map1 = affine_map<(d0, d1) -> (0, 0)>
module attributes {stable_mosaic.version = 14 : i64} {
  func.func @_sc_gather(%arg0: i32, %arg1: i32, %arg2: memref<16384xi32, #tpu.memory_space<hbm>>, %arg3: memref<16384xi32, #tpu.memory_space<hbm>>, %arg4: memref<16384xi32, #tpu.memory_space<hbm>>, %arg5: memref<100000x64xf32, #tpu.memory_space<hbm>>, %arg6: memref<1000000x64xf32, #tpu.memory_space<hbm>>, %arg7: memref<16384x64xf32, #tpu.memory_space<hbm>>, %arg8: memref<16384x64xf32, #tpu.memory_space<hbm>>, %arg9: memref<16384x64xf32, #tpu.memory_space<hbm>>, %arg10: memref<512xi32, #tpu.memory_space<vmem>>, %arg11: memref<512xi32, #tpu.memory_space<vmem>>, %arg12: memref<512xi32, #tpu.memory_space<vmem>>, %arg13: memref<512x64xf32, #tpu.memory_space<vmem>>, %arg14: memref<512x64xf32, #tpu.memory_space<vmem>>, %arg15: memref<512x64xf32, #tpu.memory_space<vmem>>, %arg16: memref<!tpu.dma_semaphore, #tpu.memory_space<semaphore_mem>>, %arg17: memref<!tpu.dma_semaphore, #tpu.memory_space<semaphore_mem>>) attributes {dimension_semantics = [#tpu.dimension_semantics<core_parallel>, #tpu.dimension_semantics<subcore_parallel>], iteration_bounds = array<i64: 2, 16>, scalar_prefetch = 0 : i64, scratch_operands = 8 : i64, tpu.core_type = #tpu.core_type<sc_vector_subcore>, window_params = [{transform_indices = #map}, {transform_indices = #map}, {transform_indices = #map}, {transform_indices = #map1}, {transform_indices = #map1}, {transform_indices = #map1}, {transform_indices = #map1}, {transform_indices = #map1}]} {
    %mul3A = arith.constant 2 : i32
    %mul3A_0 = arith.muli %arg1, %mul3A : i32
    %add3A = arith.addi %mul3A_0, %arg0 : i32
    %mul3A_1 = arith.constant 512 : i32
    %mul3A_2 = arith.muli %add3A, %mul3A_1 : i32
    "tpu.region"() ({
      %run_scoped3A = tpu.sem_alloc : memref<!tpu.dma_semaphore, #tpu.memory_space<semaphore_mem>>
      %dma_start3A_43 = tpu.memref_slice %arg2[%mul3A_2] : memref<16384xi32, #tpu.memory_space<hbm>> -> memref<512xi32, #tpu.memory_space<hbm>>
      %dma_start3A_44 = tpu.memref_slice %arg2[%mul3A_2] : memref<16384xi32, #tpu.memory_space<hbm>> -> memref<512xi32, #tpu.memory_space<hbm>>
      tpu.enqueue_dma source(%dma_start3A_44 : memref<512xi32, #tpu.memory_space<hbm>>) target(%arg10 : memref<512xi32, #tpu.memory_space<vmem>>) target_semaphore(%run_scoped3A : memref<!tpu.dma_semaphore, #tpu.memory_space<semaphore_mem>>)
      %dma_wait3A_45 = tpu.memref_slice %arg2[%mul3A_2] : memref<16384xi32, #tpu.memory_space<hbm>> -> memref<512xi32, #tpu.memory_space<hbm>>
      %dma_wait3A_46 = tpu.memref_slice %arg2[%mul3A_2] : memref<16384xi32, #tpu.memory_space<hbm>> -> memref<512xi32, #tpu.memory_space<hbm>>
      tpu.wait_dma2 semaphore(%run_scoped3A : memref<!tpu.dma_semaphore, #tpu.memory_space<semaphore_mem>>) src(%dma_wait3A_46 : memref<512xi32, #tpu.memory_space<hbm>>) dst(%arg10 : memref<512xi32, #tpu.memory_space<vmem>>)
      tpu.yield
    }) : () -> ()
    "tpu.region"() ({
      %run_scoped3A = tpu.sem_alloc : memref<!tpu.dma_semaphore, #tpu.memory_space<semaphore_mem>>
      %dma_start3A_43 = tpu.memref_slice %arg3[%mul3A_2] : memref<16384xi32, #tpu.memory_space<hbm>> -> memref<512xi32, #tpu.memory_space<hbm>>
      %dma_start3A_44 = tpu.memref_slice %arg3[%mul3A_2] : memref<16384xi32, #tpu.memory_space<hbm>> -> memref<512xi32, #tpu.memory_space<hbm>>
      tpu.enqueue_dma source(%dma_start3A_44 : memref<512xi32, #tpu.memory_space<hbm>>) target(%arg11 : memref<512xi32, #tpu.memory_space<vmem>>) target_semaphore(%run_scoped3A : memref<!tpu.dma_semaphore, #tpu.memory_space<semaphore_mem>>)
      %dma_wait3A_45 = tpu.memref_slice %arg3[%mul3A_2] : memref<16384xi32, #tpu.memory_space<hbm>> -> memref<512xi32, #tpu.memory_space<hbm>>
      %dma_wait3A_46 = tpu.memref_slice %arg3[%mul3A_2] : memref<16384xi32, #tpu.memory_space<hbm>> -> memref<512xi32, #tpu.memory_space<hbm>>
      tpu.wait_dma2 semaphore(%run_scoped3A : memref<!tpu.dma_semaphore, #tpu.memory_space<semaphore_mem>>) src(%dma_wait3A_46 : memref<512xi32, #tpu.memory_space<hbm>>) dst(%arg11 : memref<512xi32, #tpu.memory_space<vmem>>)
      tpu.yield
    }) : () -> ()
    "tpu.region"() ({
      %run_scoped3A = tpu.sem_alloc : memref<!tpu.dma_semaphore, #tpu.memory_space<semaphore_mem>>
      %dma_start3A_43 = tpu.memref_slice %arg4[%mul3A_2] : memref<16384xi32, #tpu.memory_space<hbm>> -> memref<512xi32, #tpu.memory_space<hbm>>
      %dma_start3A_44 = tpu.memref_slice %arg4[%mul3A_2] : memref<16384xi32, #tpu.memory_space<hbm>> -> memref<512xi32, #tpu.memory_space<hbm>>
      tpu.enqueue_dma source(%dma_start3A_44 : memref<512xi32, #tpu.memory_space<hbm>>) target(%arg12 : memref<512xi32, #tpu.memory_space<vmem>>) target_semaphore(%run_scoped3A : memref<!tpu.dma_semaphore, #tpu.memory_space<semaphore_mem>>)
      %dma_wait3A_45 = tpu.memref_slice %arg4[%mul3A_2] : memref<16384xi32, #tpu.memory_space<hbm>> -> memref<512xi32, #tpu.memory_space<hbm>>
      %dma_wait3A_46 = tpu.memref_slice %arg4[%mul3A_2] : memref<16384xi32, #tpu.memory_space<hbm>> -> memref<512xi32, #tpu.memory_space<hbm>>
      tpu.wait_dma2 semaphore(%run_scoped3A : memref<!tpu.dma_semaphore, #tpu.memory_space<semaphore_mem>>) src(%dma_wait3A_46 : memref<512xi32, #tpu.memory_space<hbm>>) dst(%arg12 : memref<512xi32, #tpu.memory_space<vmem>>)
      tpu.yield
    }) : () -> ()
    %dma_start3A = arith.constant 0 : i32
    %dma_start3A_3 = arith.constant 0 : i32
    %dma_start3A_4 = tpu.memref_slice %arg5[%dma_start3A, %dma_start3A_3] : memref<100000x64xf32, #tpu.memory_space<hbm>> -> memref<100000x64xf32, #tpu.memory_space<hbm>>
    tpu.enqueue_indirect_dma source(%dma_start3A_4 : memref<100000x64xf32, #tpu.memory_space<hbm>>) target(%arg13 : memref<512x64xf32, #tpu.memory_space<vmem>>) offsets(%arg10 : memref<512xi32, #tpu.memory_space<vmem>>) semaphore(%arg16 : memref<!tpu.dma_semaphore, #tpu.memory_space<semaphore_mem>>)
    %dma_start3A_5 = arith.constant 0 : i32
    %dma_start3A_6 = arith.constant 0 : i32
    %dma_start3A_7 = tpu.memref_slice %arg6[%dma_start3A_5, %dma_start3A_6] : memref<1000000x64xf32, #tpu.memory_space<hbm>> -> memref<1000000x64xf32, #tpu.memory_space<hbm>>
    tpu.enqueue_indirect_dma source(%dma_start3A_7 : memref<1000000x64xf32, #tpu.memory_space<hbm>>) target(%arg14 : memref<512x64xf32, #tpu.memory_space<vmem>>) offsets(%arg11 : memref<512xi32, #tpu.memory_space<vmem>>) semaphore(%arg16 : memref<!tpu.dma_semaphore, #tpu.memory_space<semaphore_mem>>)
    %dma_start3A_8 = arith.constant 0 : i32
    %dma_start3A_9 = arith.constant 0 : i32
    %dma_start3A_10 = tpu.memref_slice %arg6[%dma_start3A_8, %dma_start3A_9] : memref<1000000x64xf32, #tpu.memory_space<hbm>> -> memref<1000000x64xf32, #tpu.memory_space<hbm>>
    tpu.enqueue_indirect_dma source(%dma_start3A_10 : memref<1000000x64xf32, #tpu.memory_space<hbm>>) target(%arg15 : memref<512x64xf32, #tpu.memory_space<vmem>>) offsets(%arg12 : memref<512xi32, #tpu.memory_space<vmem>>) semaphore(%arg16 : memref<!tpu.dma_semaphore, #tpu.memory_space<semaphore_mem>>)
    %dma_wait3A = arith.constant 0 : i32
    %dma_wait3A_11 = arith.constant 0 : i32
    %dma_wait3A_12 = tpu.memref_slice %arg5[%dma_wait3A, %dma_wait3A_11] : memref<100000x64xf32, #tpu.memory_space<hbm>> -> memref<100000x64xf32, #tpu.memory_space<hbm>>
    tpu.wait_indirect_dma semaphore(%arg16 : memref<!tpu.dma_semaphore, #tpu.memory_space<semaphore_mem>>) src(%dma_wait3A_12 : memref<100000x64xf32, #tpu.memory_space<hbm>>) dst(%arg13 : memref<512x64xf32, #tpu.memory_space<vmem>>)
    %dma_start3A_13 = arith.constant 0 : i32
    %dma_start3A_14 = tpu.memref_slice %arg7[%mul3A_2, %dma_start3A_13] : memref<16384x64xf32, #tpu.memory_space<hbm>> -> memref<512x64xf32, #tpu.memory_space<hbm>>
    %dma_start3A_15 = arith.constant 0 : i32
    %dma_start3A_16 = tpu.memref_slice %arg7[%mul3A_2, %dma_start3A_15] : memref<16384x64xf32, #tpu.memory_space<hbm>> -> memref<512x64xf32, #tpu.memory_space<hbm>>
    tpu.enqueue_dma source(%arg13 : memref<512x64xf32, #tpu.memory_space<vmem>>) target(%dma_start3A_16 : memref<512x64xf32, #tpu.memory_space<hbm>>) target_semaphore(%arg17 : memref<!tpu.dma_semaphore, #tpu.memory_space<semaphore_mem>>)
    %dma_wait3A_17 = arith.constant 0 : i32
    %dma_wait3A_18 = arith.constant 0 : i32
    %dma_wait3A_19 = tpu.memref_slice %arg6[%dma_wait3A_17, %dma_wait3A_18] : memref<1000000x64xf32, #tpu.memory_space<hbm>> -> memref<1000000x64xf32, #tpu.memory_space<hbm>>
    tpu.wait_indirect_dma semaphore(%arg16 : memref<!tpu.dma_semaphore, #tpu.memory_space<semaphore_mem>>) src(%dma_wait3A_19 : memref<1000000x64xf32, #tpu.memory_space<hbm>>) dst(%arg14 : memref<512x64xf32, #tpu.memory_space<vmem>>)
    %dma_start3A_20 = arith.constant 0 : i32
    %dma_start3A_21 = tpu.memref_slice %arg8[%mul3A_2, %dma_start3A_20] : memref<16384x64xf32, #tpu.memory_space<hbm>> -> memref<512x64xf32, #tpu.memory_space<hbm>>
    %dma_start3A_22 = arith.constant 0 : i32
    %dma_start3A_23 = tpu.memref_slice %arg8[%mul3A_2, %dma_start3A_22] : memref<16384x64xf32, #tpu.memory_space<hbm>> -> memref<512x64xf32, #tpu.memory_space<hbm>>
    tpu.enqueue_dma source(%arg14 : memref<512x64xf32, #tpu.memory_space<vmem>>) target(%dma_start3A_23 : memref<512x64xf32, #tpu.memory_space<hbm>>) target_semaphore(%arg17 : memref<!tpu.dma_semaphore, #tpu.memory_space<semaphore_mem>>)
    %dma_wait3A_24 = arith.constant 0 : i32
    %dma_wait3A_25 = arith.constant 0 : i32
    %dma_wait3A_26 = tpu.memref_slice %arg6[%dma_wait3A_24, %dma_wait3A_25] : memref<1000000x64xf32, #tpu.memory_space<hbm>> -> memref<1000000x64xf32, #tpu.memory_space<hbm>>
    tpu.wait_indirect_dma semaphore(%arg16 : memref<!tpu.dma_semaphore, #tpu.memory_space<semaphore_mem>>) src(%dma_wait3A_26 : memref<1000000x64xf32, #tpu.memory_space<hbm>>) dst(%arg15 : memref<512x64xf32, #tpu.memory_space<vmem>>)
    %dma_start3A_27 = arith.constant 0 : i32
    %dma_start3A_28 = tpu.memref_slice %arg9[%mul3A_2, %dma_start3A_27] : memref<16384x64xf32, #tpu.memory_space<hbm>> -> memref<512x64xf32, #tpu.memory_space<hbm>>
    %dma_start3A_29 = arith.constant 0 : i32
    %dma_start3A_30 = tpu.memref_slice %arg9[%mul3A_2, %dma_start3A_29] : memref<16384x64xf32, #tpu.memory_space<hbm>> -> memref<512x64xf32, #tpu.memory_space<hbm>>
    tpu.enqueue_dma source(%arg15 : memref<512x64xf32, #tpu.memory_space<vmem>>) target(%dma_start3A_30 : memref<512x64xf32, #tpu.memory_space<hbm>>) target_semaphore(%arg17 : memref<!tpu.dma_semaphore, #tpu.memory_space<semaphore_mem>>)
    %dma_wait3A_31 = arith.constant 0 : i32
    %dma_wait3A_32 = tpu.memref_slice %arg7[%mul3A_2, %dma_wait3A_31] : memref<16384x64xf32, #tpu.memory_space<hbm>> -> memref<512x64xf32, #tpu.memory_space<hbm>>
    %dma_wait3A_33 = arith.constant 0 : i32
    %dma_wait3A_34 = tpu.memref_slice %arg7[%mul3A_2, %dma_wait3A_33] : memref<16384x64xf32, #tpu.memory_space<hbm>> -> memref<512x64xf32, #tpu.memory_space<hbm>>
    tpu.wait_dma2 semaphore(%arg17 : memref<!tpu.dma_semaphore, #tpu.memory_space<semaphore_mem>>) src(%arg13 : memref<512x64xf32, #tpu.memory_space<vmem>>) dst(%dma_wait3A_34 : memref<512x64xf32, #tpu.memory_space<hbm>>)
    %dma_wait3A_35 = arith.constant 0 : i32
    %dma_wait3A_36 = tpu.memref_slice %arg8[%mul3A_2, %dma_wait3A_35] : memref<16384x64xf32, #tpu.memory_space<hbm>> -> memref<512x64xf32, #tpu.memory_space<hbm>>
    %dma_wait3A_37 = arith.constant 0 : i32
    %dma_wait3A_38 = tpu.memref_slice %arg8[%mul3A_2, %dma_wait3A_37] : memref<16384x64xf32, #tpu.memory_space<hbm>> -> memref<512x64xf32, #tpu.memory_space<hbm>>
    tpu.wait_dma2 semaphore(%arg17 : memref<!tpu.dma_semaphore, #tpu.memory_space<semaphore_mem>>) src(%arg14 : memref<512x64xf32, #tpu.memory_space<vmem>>) dst(%dma_wait3A_38 : memref<512x64xf32, #tpu.memory_space<hbm>>)
    %dma_wait3A_39 = arith.constant 0 : i32
    %dma_wait3A_40 = tpu.memref_slice %arg9[%mul3A_2, %dma_wait3A_39] : memref<16384x64xf32, #tpu.memory_space<hbm>> -> memref<512x64xf32, #tpu.memory_space<hbm>>
    %dma_wait3A_41 = arith.constant 0 : i32
    %dma_wait3A_42 = tpu.memref_slice %arg9[%mul3A_2, %dma_wait3A_41] : memref<16384x64xf32, #tpu.memory_space<hbm>> -> memref<512x64xf32, #tpu.memory_space<hbm>>
    tpu.wait_dma2 semaphore(%arg17 : memref<!tpu.dma_semaphore, #tpu.memory_space<semaphore_mem>>) src(%arg15 : memref<512x64xf32, #tpu.memory_space<vmem>>) dst(%dma_wait3A_42 : memref<512x64xf32, #tpu.memory_space<hbm>>)
    return
  }
}

module attributes {stable_mosaic.version = 14 : i64} {
  func.func @_tc_dist_body(%arg0: i32, %arg1: memref<2048x64xf32, #tpu.memory_space<vmem>>, %arg2: memref<2048x64xf32, #tpu.memory_space<vmem>>, %arg3: memref<2048x64xf32, #tpu.memory_space<vmem>>, %arg4: memref<2048x1xf32, #tpu.memory_space<vmem>>, %arg5: memref<2048x1xf32, #tpu.memory_space<vmem>>) attributes {dimension_semantics = [#tpu.dimension_semantics<arbitrary>], iteration_bounds = array<i64: 8>, scalar_prefetch = 0 : i64, scratch_operands = 0 : i64, tpu.core_type = #tpu.core_type<tc>, window_params = [{transform_indices = @transform_0, window_bounds = array<i64: 2048, 64>}, {transform_indices = @transform_1, window_bounds = array<i64: 2048, 64>}, {transform_indices = @transform_2, window_bounds = array<i64: 2048, 64>}, {transform_indices = @transform_3, window_bounds = array<i64: 2048, 1>}, {transform_indices = @transform_4, window_bounds = array<i64: 2048, 1>}]} {
    %get3A = arith.constant 0 : index
    %get3A_0 = arith.constant 0 : index
    %get3A_1 = vector.load %arg1[%get3A, %get3A_0] : memref<2048x64xf32, #tpu.memory_space<vmem>>, vector<2048x64xf32>
    %get3A_2 = arith.constant 0 : index
    %get3A_3 = arith.constant 0 : index
    %get3A_4 = vector.load %arg2[%get3A_2, %get3A_3] : memref<2048x64xf32, #tpu.memory_space<vmem>>, vector<2048x64xf32>
    %get3A_5 = arith.constant 0 : index
    %get3A_6 = arith.constant 0 : index
    %get3A_7 = vector.load %arg3[%get3A_5, %get3A_6] : memref<2048x64xf32, #tpu.memory_space<vmem>>, vector<2048x64xf32>
    %mul3A = arith.mulf %get3A_1, %get3A_1 : vector<2048x64xf32>
    %reduce_sum3A = arith.constant dense<0.000000e+00> : vector<2048xf32>
    %reduce_sum3A_8 = vector.multi_reduction <add>, %mul3A, %reduce_sum3A [1] : vector<2048x64xf32> to vector<2048xf32>
    %broadcast_in_dim3A = vector.shape_cast %reduce_sum3A_8 : vector<2048xf32> to vector<2048x1xf32>
    %mul3A_9 = arith.mulf %get3A_4, %get3A_4 : vector<2048x64xf32>
    %reduce_sum3A_10 = arith.constant dense<0.000000e+00> : vector<2048xf32>
    %reduce_sum3A_11 = vector.multi_reduction <add>, %mul3A_9, %reduce_sum3A_10 [1] : vector<2048x64xf32> to vector<2048xf32>
    %broadcast_in_dim3A_12 = vector.shape_cast %reduce_sum3A_11 : vector<2048xf32> to vector<2048x1xf32>
    %mul3A_13 = arith.mulf %get3A_7, %get3A_7 : vector<2048x64xf32>
    %reduce_sum3A_14 = arith.constant dense<0.000000e+00> : vector<2048xf32>
    %reduce_sum3A_15 = vector.multi_reduction <add>, %mul3A_13, %reduce_sum3A_14 [1] : vector<2048x64xf32> to vector<2048xf32>
    %broadcast_in_dim3A_16 = vector.shape_cast %reduce_sum3A_15 : vector<2048xf32> to vector<2048x1xf32>
    %mul3A_17 = arith.mulf %get3A_1, %get3A_4 : vector<2048x64xf32>
    %reduce_sum3A_18 = arith.constant dense<0.000000e+00> : vector<2048xf32>
    %reduce_sum3A_19 = vector.multi_reduction <add>, %mul3A_17, %reduce_sum3A_18 [1] : vector<2048x64xf32> to vector<2048xf32>
    %broadcast_in_dim3A_20 = vector.shape_cast %reduce_sum3A_19 : vector<2048xf32> to vector<2048x1xf32>
    %mul3A_21 = arith.mulf %get3A_1, %get3A_7 : vector<2048x64xf32>
    %reduce_sum3A_22 = arith.constant dense<0.000000e+00> : vector<2048xf32>
    %reduce_sum3A_23 = vector.multi_reduction <add>, %mul3A_21, %reduce_sum3A_22 [1] : vector<2048x64xf32> to vector<2048xf32>
    %broadcast_in_dim3A_24 = vector.shape_cast %reduce_sum3A_23 : vector<2048xf32> to vector<2048x1xf32>
    %max3A = arith.constant 1.000000e+00 : f32
    %max3A_25 = vector.broadcast %max3A : f32 to vector<2048x1xf32>
    %max3A_26 = arith.maximumf %broadcast_in_dim3A, %max3A_25 : vector<2048x1xf32>
    %max3A_27 = arith.constant 1.000000e+00 : f32
    %max3A_28 = vector.broadcast %max3A_27 : f32 to vector<2048x1xf32>
    %max3A_29 = arith.maximumf %broadcast_in_dim3A_12, %max3A_28 : vector<2048x1xf32>
    %max3A_30 = arith.constant 1.000000e+00 : f32
    %max3A_31 = vector.broadcast %max3A_30 : f32 to vector<2048x1xf32>
    %max3A_32 = arith.maximumf %broadcast_in_dim3A_16, %max3A_31 : vector<2048x1xf32>
    %div3A = arith.divf %broadcast_in_dim3A, %max3A_26 : vector<2048x1xf32>
    %div3A_33 = arith.divf %broadcast_in_dim3A_12, %max3A_29 : vector<2048x1xf32>
    %add3A = arith.addf %div3A, %div3A_33 : vector<2048x1xf32>
    %mul3A_34 = arith.constant 2.000000e+00 : f32
    %mul3A_35 = vector.broadcast %mul3A_34 : f32 to vector<2048x1xf32>
    %mul3A_36 = arith.mulf %mul3A_35, %broadcast_in_dim3A_20 : vector<2048x1xf32>
    %mul3A_37 = arith.mulf %max3A_26, %max3A_29 : vector<2048x1xf32>
    %rsqrt3A = math.rsqrt %mul3A_37 : vector<2048x1xf32>
    %mul3A_38 = arith.mulf %mul3A_36, %rsqrt3A : vector<2048x1xf32>
    %sub3A = arith.subf %add3A, %mul3A_38 : vector<2048x1xf32>
    %swap3A = arith.constant 0 : index
    %swap3A_39 = arith.constant 0 : index
    %swap3A_40 = vector.load %arg4[%swap3A, %swap3A_39] : memref<2048x1xf32, #tpu.memory_space<vmem>>, vector<2048x1xf32>
    tpu.vector_store %arg4[%swap3A, %swap3A_39], %sub3A {strides = array<i32>} : memref<2048x1xf32, #tpu.memory_space<vmem>>, vector<2048x1xf32>,
    %div3A_41 = arith.divf %broadcast_in_dim3A, %max3A_26 : vector<2048x1xf32>
    %div3A_42 = arith.divf %broadcast_in_dim3A_16, %max3A_32 : vector<2048x1xf32>
    %add3A_43 = arith.addf %div3A_41, %div3A_42 : vector<2048x1xf32>
    %mul3A_44 = arith.constant 2.000000e+00 : f32
    %mul3A_45 = vector.broadcast %mul3A_44 : f32 to vector<2048x1xf32>
    %mul3A_46 = arith.mulf %mul3A_45, %broadcast_in_dim3A_24 : vector<2048x1xf32>
    %mul3A_47 = arith.mulf %max3A_26, %max3A_32 : vector<2048x1xf32>
    %rsqrt3A_48 = math.rsqrt %mul3A_47 : vector<2048x1xf32>
    %mul3A_49 = arith.mulf %mul3A_46, %rsqrt3A_48 : vector<2048x1xf32>
    %sub3A_50 = arith.subf %add3A_43, %mul3A_49 : vector<2048x1xf32>
    %swap3A_51 = arith.constant 0 : index
    %swap3A_52 = arith.constant 0 : index
    %swap3A_53 = vector.load %arg5[%swap3A_51, %swap3A_52] : memref<2048x1xf32, #tpu.memory_space<vmem>>, vector<2048x1xf32>
    tpu.vector_store %arg5[%swap3A_51, %swap3A_52], %sub3A_50 {strides = array<i32>} : memref<2048x1xf32, #tpu.memory_space<vmem>>, vector<2048x1xf32>,
    return
  }
  func.func @transform_0(%arg0: i32) -> (i32, i32) {
    %c0_i32 = arith.constant 0 : i32
    %c0_i32_0 = arith.constant 0 : i32
    return %arg0, %c0_i32 : i32, i32
  }
  func.func @transform_1(%arg0: i32) -> (i32, i32) {
    %c0_i32 = arith.constant 0 : i32
    %c0_i32_0 = arith.constant 0 : i32
    return %arg0, %c0_i32 : i32, i32
  }
  func.func @transform_2(%arg0: i32) -> (i32, i32) {
    %c0_i32 = arith.constant 0 : i32
    %c0_i32_0 = arith.constant 0 : i32
    return %arg0, %c0_i32 : i32, i32
  }
  func.func @transform_3(%arg0: i32) -> (i32, i32) {
    %c0_i32 = arith.constant 0 : i32
    %c0_i32_0 = arith.constant 0 : i32
    return %arg0, %c0_i32 : i32, i32
  }
  func.func @transform_4(%arg0: i32) -> (i32, i32) {
    %c0_i32 = arith.constant 0 : i32
    %c0_i32_0 = arith.constant 0 : i32
    return %arg0, %c0_i32 : i32, i32
  }
}

</mosaic_0001>

<sc_bundles>
// kernel: kernel.4.cloned.1.call-start
scs
__scs_entry_jumppad:
0x0: {  	(pc) =	sbr.rel $0x88, $3  }
0x1: {  	(tag) =	ssettag $0x0;
	lr =	simm.s32 $0x1  }
0x2: {  	[smem:$0x3F9C] =	sst lr;
	_ =	strace $0xD0000000  }
0x3: {  	_ = 	snop  }
0x4: {  	_ = 	snop  }
0x5: {  	_ = 	snop  }
0x6: {  	_ = 	snop  }
0x7: {  	_ = 	snop  }
__scs_overlays_trampoline_lowered:
0x8: {  	[smem:$0x3FAB] =	sst s0  }
0x9: {  	[smem:$0x3FAC] =	sst s1  }
0xa: {  	[smem:$0x3FAD] =	sst s2  }
0xb: {  	[smem:$0x3FAE] =	sst s3  }
0xc: {  	[smem:$0x3FAF] =	sst s4  }
0xd: {  	[smem:$0x3FB0] =	sst s5  }
0xe: {  	[smem:$0x3FB1] =	sst s6  }
0xf: {  	[smem:$0x3FB2] =	sst s7  }
0x10: {  	[smem:$0x3FB3] =	sst s8  }
0x11: {  	[smem:$0x3FB4] =	sst s9;
	s0 =	simm.s32 @!p0 $0x0  }
0x12: {  	s1 =	sld [smem:$0x3F9A];
	s0 =	simm.s32 @p0 $0x1  }
0x13: {  	[smem:$0x3FB5] =	sst s0;
	s0 =	simm.s32 @!p1 $0x0  }
0x14: {  	s2 =	sld [smem:$0x3F99];
	s0 =	simm.s32 @p1 $0x1  }
0x15: {  	[smem:$0x3FB6] =	sst s0;
	s0 =	simm.s32 @!p2 $0x0  }
0x16: {  	s3 =	sld [smem:$0x3FDB];
	s0 =	simm.s32 @p2 $0x1  }
0x17: {  	s4 =	simm.s32 $0x1BF5;
	[smem:$0x3FB8] =	sst s0  }
0x18: {  	s0 =	sld [smem:$0x3F9B];
	_ =	swait.ge [sflag:s4], $0x0  }
0x19: {  	s7 =	sld [smem:$0x3F9C]  }
0x1a: {  	s8 =	sadd.s32 $0xFFFFE003, lr  }
0x1b: {  	s9 =	sadd.s32 $0xFFFFFEF7, lr;
	s5 =	simm.s32 $0xFFFFFFFF;
	p2 =	slt.u32 s8, $0xFFFFF086  }
0x1c: {  	p1 =	slt.u32 s9, $0xF7A;
	s5 =	simm.s32 @!p2 $0x0  }
0x1d: {  	s5 =	simm.s32 @p1 $0x1;
	p0 =	seq.s32 s7, s2  }
0x1e: {  	s7 =	smul.u32 @!p0 $0xF7A, s2;
	p2 =	seq.s32 @!p0 s5, $0x0  }
0x1f: {  	s9 =	smul.u32 $0xF7A, s1;
	s8 =	simm.s32 @!p0 $0x1BF5;
	p2 =	por !p2, p0  }
0x20: {  	[sflag:s8] =	ssyncset.s32 @!p0 $0xFFFFF086;
	s6 =	sadd.s32 @!p0 s3, s7;
	s7 =	simm.s32 @!p0 $0x108  }
0x21: {  	s3 =	sadd.s32 s3, s9;
	s6 =	sadd.s32 @!p0 $0x88, s6;
	s7 =	simm.s32 @p2 $0x1082  }
0x22: {  	[simem:s7], [sflag:s8] =	dma.local @!p0 [hbm:s6], $0xF7A  }
0x23: {  	s9 =	sor.u32 $0xD0000000, s2;
	s6 =	simm.s32 $0x108;
	_ =	swait.ge @!p0 [sflag:s8], $0x0  }
0x24: {  	s3 =	sadd.s32 $0x88, s3;
	s6 =	simm.s32 @!p1 $0x1082;
	[sflag:s4] =	ssyncset.s32 $0xFFFFF086  }
0x25: {  	[simem:s6], [sflag:s4] =	dma.local [hbm:s3], $0xF7A  }
0x26: {  	[smem:$0x3F9C] =	sst s1;
	(tag) =	ssettag s2;
	_ =	strace s9  }
0x27: {  	s1 =	sld [smem:$0x3FAC]  }
0x28: {  	s2 =	sld [smem:$0x3FAD]  }
0x29: {  	s4 =	sld [smem:$0x3FAF]  }
0x2a: {  	p0 =	seq.s32 s5, $0x0;
	s5 =	sld [smem:$0x3FB0]  }
0x2b: {  	s6 =	sld [smem:$0x3FB1]  }
0x2c: {  	s7 =	sld [smem:$0x3FB2]  }
0x2d: {  	s3 =	simm.s32 $0x108;
	s8 =	sld [smem:$0x3FB3]  }
0x2e: {  	s3 =	simm.s32 @!p0 $0x1082;
	s9 =	sld [smem:$0x3FB4]  }
0x2f: {  	lr =	sadd.s32 s0, s3;
	s0 =	sld [smem:$0x3FAB]  }
0x30: {  	s3 =	sld [smem:$0x3FAE]  }
0x31: {  	[smem:$0x3FB7] =	sst s10  }
0x32: {  	s10 =	sld [smem:$0x3FB5];
	_ =	sdelay $0x3  }
0x33: {  	p0 =	seq.s32 s10, $0x1;
	s10 =	sld [smem:$0x3FB7];
	_ =	sdelay $0x3  }
0x34: {  	[smem:$0x3FB7] =	sst s10  }
0x35: {  	s10 =	sld [smem:$0x3FB6];
	_ =	sdelay $0x3  }
0x36: {  	p1 =	seq.s32 s10, $0x1;
	s10 =	sld [smem:$0x3FB7];
	_ =	sdelay $0x3  }
0x37: {  	[smem:$0x3FB7] =	sst s10  }
0x38: {  	s10 =	sld [smem:$0x3FB8]  }
0x39: {  	_ = 	snop;
	(pc) =	sbr.ind lr, $3  }
0x3a: {  	_ = 	snop  }
0x3b: {  	_ = 	snop  }
0x3c: {  	p2 =	seq.s32 s10, $0x1;
	s10 =	sld [smem:$0x3FB7]  }
0x3d: {  	_ =	shalt  }
0x3e: {  	_ =	shalt  }
0x3f: {  	_ =	shalt  }
0x40: {  	_ =	shalt  }
0x41: {  	_ =	shalt  }
0x42: {  	_ =	shalt  }
0x43: {  	_ =	shalt  }
0x44: {  	_ =	shalt  }
0x45: {  	_ =	shalt  }
0x46: {  	_ =	shalt  }
0x47: {  	_ =	shalt  }
0x48: {  	_ =	shalt  }
0x49: {  	_ =	shalt  }
0x4a: {  	_ =	shalt  }
0x4b: {  	_ =	shalt  }
0x4c: {  	_ =	shalt  }
0x4d: {  	_ =	shalt  }
0x4e: {  	_ =	shalt  }
0x4f: {  	_ =	shalt  }
0x50: {  	_ =	shalt  }
0x51: {  	_ =	shalt  }
0x52: {  	_ =	shalt  }
0x53: {  	_ =	shalt  }
0x54: {  	_ =	shalt  }
0x55: {  	_ =	shalt  }
0x56: {  	_ =	shalt  }
0x57: {  	_ =	shalt  }
0x58: {  	_ =	shalt  }
0x59: {  	_ =	shalt  }
0x5a: {  	_ =	shalt  }
0x5b: {  	_ =	shalt  }
0x5c: {  	_ =	shalt  }
0x5d: {  	_ =	shalt  }
0x5e: {  	_ =	shalt  }
0x5f: {  	_ =	shalt  }
0x60: {  	_ =	shalt  }
0x61: {  	_ =	shalt  }
0x62: {  	_ =	shalt  }
0x63: {  	_ =	shalt  }
0x64: {  	_ =	shalt  }
0x65: {  	_ =	shalt  }
0x66: {  	_ =	shalt  }
0x67: {  	_ =	shalt  }
0x68: {  	_ =	shalt  }
0x69: {  	_ =	shalt  }
0x6a: {  	_ =	shalt  }
0x6b: {  	_ =	shalt  }
0x6c: {  	_ =	shalt  }
0x6d: {  	_ =	shalt  }
0x6e: {  	_ =	shalt  }
0x6f: {  	_ =	shalt  }
0x70: {  	_ =	shalt  }
0x71: {  	_ =	shalt  }
0x72: {  	_ =	shalt  }
0x73: {  	_ =	shalt  }
0x74: {  	_ =	shalt  }
0x75: {  	_ =	shalt  }
0x76: {  	_ =	shalt  }
0x77: {  	_ =	shalt  }
0x78: {  	_ =	shalt  }
0x79: {  	_ =	shalt  }
0x7a: {  	_ =	shalt  }
0x7b: {  	_ =	shalt  }
0x7c: {  	_ =	shalt  }
0x7d: {  	_ =	shalt  }
0x7e: {  	_ =	shalt  }
0x7f: {  	_ =	shalt  }
0x80: {  	_ =	shalt  }
0x81: {  	_ =	shalt  }
0x82: {  	_ =	shalt  }
0x83: {  	_ =	shalt  }
0x84: {  	_ =	shalt  }
0x85: {  	_ =	shalt  }
0x86: {  	_ =	shalt  }
0x87: {  	_ =	shalt  }
.Lfunc_end0:
.L_simem_size_0:
called_computation_lowered:
.L_overlay_start_0:
0x88: {  	s2 =	sld [smem:$0x3FD9]  }
0x89: {  	s3 =	sld [smem:$0x3FFE];
	_ =	sdelay $0x1  }
0x8a: {  	s1 =	srdreg.scid  }
0x8b: {  	s0 =	sand.u32 $0x1, s1  }
0x8c: {  	s17 =	sshll.u32 s0, $0xA;
	s2 =	sadd.s32 s3, s2  }
0x8d: {  	s2 =	sadd.s32 s2, s17  }
0x8e: {  	[smem:$0x3FC3] =	sst s2  }
0x8f: {  	_ = 	snop  }
0x90: {  	s2 =	sld [smem:$0x3FC9]  }
0x91: {  	s18 =	sld [smem:$0x3FC8]  }
0x92: {  	s4 =	sld [smem:$0x3FC7];
	(tm) =	ssettm $0x1  }
0x93: {  	s5 =	sld [smem:$0x3FFB];
	_ =	sdelay $0x3  }
0x94: {  	_ =	strace s5  }
0x95: {  	s5 =	sld [smem:$0x3FFC];
	_ =	sdelay $0x3  }
0x96: {  	_ =	strace s5  }
0x97: {  	s5 =	sld [smem:$0x3FFD];
	_ =	sdelay $0x3  }
0x98: {  	_ =	strace s5  }
0x99: {  	_ =	strace $0x8FFFFFFF  }
0x9a: {  	s19 =	sld [smem:$0x3FDB];
	_ =	sdelay $0x1  }
0x9b: {  	s6 =	simm.s32 $_scs_section_size  }
0x9c: {  	s7 =	simm.s32 $_size__tile_overlayer_lowered;
	s8 =	simm.s32 $_tile_overlayer_lowered  }
0x9d: {  	s22 =	simm.s32 $0x1BFF;
	s21 =	sshll.u32 s8, $0x1;
	s5 =	sadd.s32 s6, s19  }
0x9e: {  	s9 =	simm.s32 $0x0;
	s20 =	sshll.u32 s7, $0x1;
	s7 =	sadd.s32 s21, s5  }
0x9f: {  	[timem:s9], [sflag:s22] =	dma.local [hbm:s7], s20  }
0xa0: {  	_ =	swait.ge [sflag:s22], s20  }
0xa1: {  	s6 =	ssub.s32 $0x0, s20;
	[sflag:s22] =	ssyncset.done $0x0  }
0xa2: {  	[sflag:s22] =	ssyncadd.s32 s6;
	_ =	sdelay $0x1  }
0xa3: {  	s23 =	simm.s32 $0x1B8B  }
0xa4: {  	_ =	swait.ge [sflag:s23], $0x1  }
0xa5: {  	[sflag:s23] =	ssyncset.done $0x0  }
0xa6: {  	s25 =	simm.s32 $0x1B8E;
	s24 =	sld [smem:$0x3FFE];
	[sflag:s23] =	ssyncadd.s32 $0xFFFFFFFF  }
0xa7: {  	s26 =	simm.s32 $execute0_lowered;
	[smem:$0x3FD2] =	sst s25  }
0xa8: {  	s7 =	sshll.u32 s26, $0x1;
	_ =	strace $0x80000046;
	[dreg:$0x1] =	wrdreg $0xFFFFFFFF  }
0xa9: {  	s28 =	simm.s32 $_size_execute0_lowered;
	s5 =	sadd.s32 s5, s7;
	[dreg:$0x0] =	wrdreg $0x0  }
0xaa: {  	s7 =	sshll.u32 s28, $0x1;
	[dreg:$0x2] =	wrdreg s5  }
0xab: {  	[dreg:$0x3] =	wrdreg s7  }
0xac: {  	[dreg:$0x4] =	wrdreg $0xC0  }
0xad: {  	_ =	task [dreg:s9], $0x5FFFF  }
0xae: {  	[dreg:$0x1] =	wrdreg $0xFFFFFFFF  }
0xaf: {  	[dreg:$0x0] =	wrdreg $0x60  }
0xb0: {  	[dreg:$0x2] =	wrdreg s2  }
0xb1: {  	[dreg:$0x3] =	wrdreg s18  }
0xb2: {  	[dreg:$0x4] =	wrdreg s4  }
0xb3: {  	[dreg:$0x5] =	wrdreg s24  }
0xb4: {  	[dreg:$0x6] =	wrdreg $0x9  }
0xb5: {  	_ =	task.clear_ibuf [dreg:s9], $0x7FFFF;
	_ =	strace $0x90000046  }
0xb6: {  	s29 =	simm.s32 $0x9;
	_ =	strace $0x80000048  }
0xb7: {  	_ =	swait.ge [sflag:s29], $0x1  }
0xb8: {  	[sflag:s29] =	ssyncadd.s32 $0xFFFFFFFF  }
0xb9: {  	_ =	strace $0x90000048  }
0xba: {  	_ =	sfence  }
0xbb: {  	s30 =	sld [smem:$0x0];
	_ =	sdelay $0x2  }
0xbc: {  	s31 =	sshll.u32 s1, $0xD;
	s1 =	sshrl.u32 s1, $0x2  }
0xbd: {  	s3 =	sand.u32 $0x4000, s31;
	s1 =	sadd.s32 s1, s30  }
0xbe: {  	s0 =	sor.u32 s3, s0;
	s1 =	sshll.u32 s1, $0x11  }
0xbf: {  	s0 =	sor.u32 s1, s0  }
0xc0: {  	s0 =	sadd.s32 $0x8F2B, s0  }
0xc1: {  	[sflag:s0] =	ssyncadd.remote.s32 $0x1  }
0xc2: {  	_ =	sfence.sel $0xFFFF  }
0xc3: {  	[dreg:$0x0] =	wrdreg $0xFFFFFFFF;
	(pc) =	sbr.abs _section_cstart, $3  }
0xc4: {  	[dreg:$0x1] =	wrdreg $0xFFFFFFFF  }
0xc5: {  	_ =	task.clear_ibuf [dreg:s9], $0x2FFFF;
	_ =	strace $0x9FFFFFFF  }
0xc6: {  	(tm) =	ssettm $0x7FFFFFFF  }
0xc7: {  	_ =	shalt  }
tec
execute0_lowered:
.L_overlay_start_1:
0x0: {  	(tag) =	ssettag $0x1  }
0x1: {  	s3 =	rddreg [dreg:$0x0]  }
0x2: {  	s5 =	rddreg [dreg:$0x1];
	s1 =	srdreg.scid  }
0x3: {  	s7 =	rddreg [dreg:$0x2];
	s0 =	stileid.u32;
	s19 =	sand.u32 $0x1, s1  }
0x4: {  	s15 =	rddreg [dreg:$0x3];
	s4 =	sshll.u32 s0, $0xA;
	s6 =	sshll.u32 s19, $0x9  }
0x5: {  	s2 =	simm.s32 $0x0;
	s1 =	rddreg [dreg:$0x4];
	s16 =	sor.u32 s6, s4  }
0x6: {  	[smem:$0x7FF] =	sst s2;
	s8 =	sshrl.u32 s16, $0x3  }
0x7: {  	_ =	strace $0x80000047;
	s4 =	simm.s32 $0x3;
	s3 =	sadd.s32 s3, s8  }
0x8: {  	[tilespmem:s2], [sflag:$0x3] =	stream.linear.gather [hbm4b:s3+s2], $0x200, $0x38;
	[tilespmem:$0x18600] =	vst v63  }
0x9: {  	_ =	swait.ge [sflag:s4], $0x200  }
0xa: {  	[sflag:s4] =	ssyncset.done $0x0  }
0xb: {  	s6 =	simm.s32 $0x200;
	s5 =	sadd.s32 s5, s8;
	[sflag:s4] =	ssyncadd.s32 $0xFFFFFE00  }
0xc: {  	[tilespmem:s6], [sflag:$0x3] =	stream.linear.gather [hbm4b:s5+s2], $0x200, $0x38;
	[tilespmem:$0x18600] =	vst v63  }
0xd: {  	_ =	swait.ge [sflag:s4], $0x200  }
0xe: {  	[sflag:s4] =	ssyncset.done $0x0  }
0xf: {  	s7 =	sadd.s32 s7, s8;
	s8 =	simm.s32 $0x400;
	[sflag:s4] =	ssyncadd.s32 $0xFFFFFE00  }
0x10: {  	[tilespmem:s8], [sflag:$0x3] =	stream.linear.gather [hbm4b:s7+s2], $0x200, $0x38;
	[tilespmem:$0x18600] =	vst v63  }
0x11: {  	_ =	swait.ge [sflag:s4], $0x200  }
0x12: {  	[sflag:s4] =	ssyncset.done $0x0  }
0x13: {  	s10 =	simm.s32 $0x600;
	s9 =	sadd.s32 $0x187800, s15;
	[sflag:s4] =	ssyncadd.s32 $0xFFFFFE00  }
0x14: {  	[tilespmem:s10], [sflag:$0x1] =	stream.indirect.gather [hbm4b:s9+s6], $0x40, s2, s6, $0xb8;
	[tilespmem:$0x18600] =	vst v63  }
0x15: {  	s12 =	simm.s32 $0x8600;
	s11 =	sadd.s32 $0xF43200, s15  }
0x16: {  	[tilespmem:s12], [sflag:$0x1] =	stream.indirect.gather [hbm4b:s11+s6], $0x40, s6, s6, $0xb8;
	[tilespmem:$0x18600] =	vst v63  }
0x17: {  	s13 =	simm.s32 $0x10600;
	s14 =	simm.s32 $0x1  }
0x18: {  	[tilespmem:s13], [sflag:$0x1] =	stream.indirect.gather [hbm4b:s11+s6], $0x40, s8, s6, $0xb8;
	[tilespmem:$0x18600] =	vst v63  }
0x19: {  	s16 =	sshll.u32 s16, $0x3;
	_ =	swait.ge [sflag:s14], $0x8000  }
0x1a: {  	s17 =	sadd.s32 s16, s15;
	[sflag:s14] =	ssyncset.done $0x0  }
0x1b: {  	s15 =	sadd.s32 $0x40E00, s17;
	[sflag:s14] =	ssyncadd.s32 $0xFFFF8000  }
0x1c: {  	[hbm4b:s15+s2] =	stream.linear.scatter [tilespmem:s10], [sflag:$0x2], $0x8000, $0x38;
	[tilespmem:$0x18600] =	vst v63  }
0x1d: {  	_ =	swait.ge [sflag:s14], $0x8000  }
0x1e: {  	[sflag:s14] =	ssyncset.done $0x0  }
0x1f: {  	s16 =	sadd.s32 $0x20E00, s17;
	[sflag:s14] =	ssyncadd.s32 $0xFFFF8000  }
0x20: {  	[hbm4b:s16+s2] =	stream.linear.scatter [tilespmem:s12], [sflag:$0x2], $0x8000, $0x38;
	[tilespmem:$0x18600] =	vst v63  }
0x21: {  	s19 =	ssub.s32 $0x2, s19;
	_ =	swait.ge [sflag:s14], $0x8000  }
0x22: {  	s20 =	sshrl.u32 s19, $0x1;
	[sflag:s14] =	ssyncset.done $0x0  }
0x23: {  	s18 =	sadd.s32 $0xE00, s17;
	s17 =	simm.s32 $0x2;
	[sflag:s14] =	ssyncadd.s32 $0xFFFF8000  }
0x24: {  	[hbm4b:s18+s2] =	stream.linear.scatter [tilespmem:s13], [sflag:$0x2], $0x8000, $0x38;
	[tilespmem:$0x18600] =	vst v63  }
0x25: {  	s19 =	ssub.s32 s19, s20;
	_ =	swait.ge [sflag:s17], $0x8000  }
0x26: {  	s19 =	smax.u32 s19, $0x1;
	[sflag:s17] =	ssyncset.done $0x0  }
0x27: {  	p0 =	sne.s32 s19, $0x1;
	[sflag:s17] =	ssyncadd.s32 $0xFFFF8000  }
.Ltmp0:
0x28: {  	_ =	swait.ge [sflag:s17], $0x8000;
	(pc) =	sbr.rel @!p0 .LBB2_2-.Ltmp0, $4  }
0x29: {  	[sflag:s17] =	ssyncset.done $0x0  }
0x2a: {  	[sflag:s17] =	ssyncadd.s32 $0xFFFF8000  }
0x2b: {  	_ =	swait.ge [sflag:s17], $0x8000  }
0x2c: {  	s19 =	sadd.s32 $0xFFFFFFFF, s19;
	[sflag:s17] =	ssyncset.done $0x0  }
.LBB2_1:
0x2d: {  	p0 =	sne.s32 s19, $0x1;
	s19 =	sadd.s32 $0xFFFFFFFF, s19;
	[sflag:s17] =	ssyncadd.s32 $0xFFFF8000  }
0x2e: {  	[tilespmem:s2], [sflag:$0x3] =	stream.linear.gather [hbm4b:s3+s2], $0x200, $0x38;
	[tilespmem:$0x18600] =	vst v63  }
0x2f: {  	_ =	swait.ge [sflag:s4], $0x200  }
0x30: {  	[sflag:s4] =	ssyncset.done $0x0  }
0x31: {  	[sflag:s4] =	ssyncadd.s32 $0xFFFFFE00  }
0x32: {  	[tilespmem:s6], [sflag:$0x3] =	stream.linear.gather [hbm4b:s5+s2], $0x200, $0x38;
	[tilespmem:$0x18600] =	vst v63  }
0x33: {  	_ =	swait.ge [sflag:s4], $0x200  }
0x34: {  	[sflag:s4] =	ssyncset.done $0x0  }
0x35: {  	[sflag:s4] =	ssyncadd.s32 $0xFFFFFE00  }
0x36: {  	[tilespmem:s8], [sflag:$0x3] =	stream.linear.gather [hbm4b:s7+s2], $0x200, $0x38;
	[tilespmem:$0x18600] =	vst v63  }
0x37: {  	_ =	swait.ge [sflag:s4], $0x200  }
0x38: {  	[sflag:s4] =	ssyncset.done $0x0  }
0x39: {  	[sflag:s4] =	ssyncadd.s32 $0xFFFFFE00  }
0x3a: {  	[tilespmem:s10], [sflag:$0x1] =	stream.indirect.gather [hbm4b:s9+s6], $0x40, s2, s6, $0xb8;
	[tilespmem:$0x18600] =	vst v63  }
0x3b: {  	_ = 	snop  }
0x3c: {  	[tilespmem:s12], [sflag:$0x1] =	stream.indirect.gather [hbm4b:s11+s6], $0x40, s6, s6, $0xb8;
	[tilespmem:$0x18600] =	vst v63  }
0x3d: {  	_ = 	snop  }
0x3e: {  	[tilespmem:s13], [sflag:$0x1] =	stream.indirect.gather [hbm4b:s11+s6], $0x40, s8, s6, $0xb8;
	[tilespmem:$0x18600] =	vst v63  }
0x3f: {  	_ =	swait.ge [sflag:s14], $0x8000  }
0x40: {  	[sflag:s14] =	ssyncset.done $0x0  }
0x41: {  	[sflag:s14] =	ssyncadd.s32 $0xFFFF8000  }
0x42: {  	[hbm4b:s15+s2] =	stream.linear.scatter [tilespmem:s10], [sflag:$0x2], $0x8000, $0x38;
	[tilespmem:$0x18600] =	vst v63  }
0x43: {  	_ =	swait.ge [sflag:s14], $0x8000  }
0x44: {  	[sflag:s14] =	ssyncset.done $0x0  }
0x45: {  	[sflag:s14] =	ssyncadd.s32 $0xFFFF8000  }
0x46: {  	[hbm4b:s16+s2] =	stream.linear.scatter [tilespmem:s12], [sflag:$0x2], $0x8000, $0x38;
	[tilespmem:$0x18600] =	vst v63  }
0x47: {  	_ =	swait.ge [sflag:s14], $0x8000  }
0x48: {  	[sflag:s14] =	ssyncset.done $0x0  }
0x49: {  	[sflag:s14] =	ssyncadd.s32 $0xFFFF8000  }
0x4a: {  	[hbm4b:s18+s2] =	stream.linear.scatter [tilespmem:s13], [sflag:$0x2], $0x8000, $0x38;
	[tilespmem:$0x18600] =	vst v63  }
0x4b: {  	_ =	swait.ge [sflag:s17], $0x8000  }
0x4c: {  	[sflag:s17] =	ssyncset.done $0x0  }
0x4d: {  	[sflag:s17] =	ssyncadd.s32 $0xFFFF8000  }
.Ltmp1:
0x4e: {  	_ =	swait.ge [sflag:s17], $0x8000;
	(pc) =	sbr.rel @p0 .LBB2_1-.Ltmp1, $4  }
0x4f: {  	[sflag:s17] =	ssyncset.done $0x0  }
0x50: {  	[sflag:s17] =	ssyncadd.s32 $0xFFFF8000  }
0x51: {  	_ =	swait.ge [sflag:s17], $0x8000  }
0x52: {  	[sflag:s17] =	ssyncset.done $0x0  }
.LBB2_2:
0x53: {  	[sflag:s17] =	ssyncadd.s32 $0xFFFF8000  }
0x54: {  	_ =	sfence.sel $0x180000  }
0x55: {  	[bflag:$0x0] =	sbarrier.arrive $0xFFFF  }
0x56: {  	p0 =	sne.s32 s0, $0x0;
	_ =	strace $0x90000047  }
0x57: {  	s0 =	sadd.s32 @!p0 $0x100000, s1;
	[bflag:$0x2] =	sbarrier.arrive $0xFFFF  }
0x58: {  	[sflag:s0] =	ssyncadd.tile.s32 @!p0 $0x1;
	_ =	shalt  }
.Lfunc_end2:
_tile_overlayer_lowered:
.L_overlay_start_2:
0x59: {  	(tag) =	ssettag $0x2  }
0x5a: {  	s0 =	rddreg [dreg:$0x0];
	s2 =	stileid.u32  }
0x5b: {  	s1 =	rddreg [dreg:$0x1];
	p0 =	sne.s32 s2, $0x0  }
0x5c: {  	s3 =	rddreg [dreg:$0x2];
	[bflag:$0x3] =	sbarrier.arrive $0xFFFF;
	s2 =	simm.s32 @!p0 $0x1C03  }
0x5d: {  	[timem:s3], [sflag:s2] =	dma.local @!p0 [hbm:s0], s1  }
0x5e: {  	s0 =	simm.s32 @!p0 $0x3  }
0x5f: {  	_ =	swait.ge @!p0 [sflag:s0], s1  }
0x60: {  	s1 =	ssub.s32 @!p0 $0x0, s1;
	[sflag:s0] =	ssyncset.done @!p0 $0x0  }
0x61: {  	[sflag:s0] =	ssyncadd.s32 @!p0 s1  }
0x62: {  	[bflag:$0x3] =	sbarrier.arrive $0xFFFF  }
0x63: {  	_ =	shalt  }

</sc_bundles>
